<compile_context>
chip_gen: v7x
topology: tpu7x:2x2x1
jax: 0.10.2.dev20260603
libtpu: 0.0.44.dev20260713+nightly
codegen_flags: <defaults>
</compile_context>

<pallas_src>
import functools

import jax
import jax.numpy as jnp
from jax import lax
from jax.experimental import pallas as pl
from jax.experimental.pallas import tpu as pltpu
from jax.experimental.pallas import tpu_sc as plsc

EMBED = 64
NC = 2
NS = 16
NW = NC * NS
CHUNK = 128
NBUF = 3


def _emb_body(idx_hbm, table_hbm, pos2_hbm, out_hbm,
              idx_v, rows_v, pos_sh, sem_g, sem_s, sem_p):
    chunks_per_w = idx_hbm.shape[1]
    t = pos2_hbm.shape[0] // 2
    c = lax.axis_index("c")
    s = lax.axis_index("s")
    w = s * NC + c
    pltpu.sync_copy(idx_hbm.at[w], idx_v)

    @pl.when(s == 0)
    def _():
        pltpu.sync_copy(pos2_hbm, pos_sh)
    plsc.subcore_barrier()

    base = w * (chunks_per_w * CHUNK)

    def prefill(h):
        poff = pl.multiple_of(lax.rem(h * CHUNK, t), 8)
        pltpu.async_copy(pos_sh.at[pl.ds(poff, CHUNK)],
                         rows_v.at[lax.rem(h, NBUF)], sem_p)

    def wait_prefill():
        pltpu.make_async_copy(pos_sh.at[pl.ds(0, CHUNK)], rows_v.at[0],
                              sem_p).wait()

    def wait_store():
        pltpu.make_async_copy(rows_v.at[0], out_hbm.at[pl.ds(base, CHUNK)],
                              sem_s).wait()

    prefill(0)

    def chunk_body(h, _):
        buf = lax.rem(h, NBUF)
        wait_prefill()

        @pl.when(h + 1 < chunks_per_w)
        def _():
            @pl.when(h >= 2)
            def _():
                wait_store()
            prefill(h + 1)

        pltpu.async_copy(
            table_hbm.at[idx_v.at[h]], rows_v.at[buf], sem_g, add=True
        ).wait()
        pltpu.async_copy(
            rows_v.at[buf],
            out_hbm.at[pl.ds(pl.multiple_of(base + h * CHUNK, CHUNK), CHUNK)],
            sem_s,
        )
        return ()

    lax.fori_loop(0, chunks_per_w, chunk_body, ())

    for _ in range(NBUF):
        wait_store()


def kernel(x, token_emb, pos_emb):
    B, Tcur = x.shape
    total = B * Tcur
    chunks_per_w = total // (NW * CHUNK)
    xi = x.astype(jnp.int32).reshape(NW, chunks_per_w, CHUNK)
    tpad = jnp.pad(token_emb, ((0, 0), (0, 128 - EMBED)))
    pos = pos_emb[0, :Tcur, :]
    pos2 = jnp.pad(jnp.concatenate([pos, pos], axis=0),
                   ((0, 0), (0, 128 - EMBED)))

    emb = functools.partial(
        pl.kernel,
        out_type=jax.ShapeDtypeStruct((total, 128), jnp.float32),
        mesh=plsc.VectorSubcoreMesh(core_axis_name="c", subcore_axis_name="s"),
        compiler_params=pltpu.CompilerParams(use_tc_tiling_on_sc=True,
                                             needs_layout_passes=False),
        scratch_types=[
            pltpu.VMEM((chunks_per_w, CHUNK), jnp.int32),
            pltpu.VMEM((NBUF, CHUNK, 128), jnp.float32),
            pltpu.VMEM_SHARED((2 * Tcur, 128), jnp.float32),
            pltpu.SemaphoreType.DMA,
            pltpu.SemaphoreType.DMA,
            pltpu.SemaphoreType.DMA,
        ],
    )(_emb_body)
    out = emb(xi, tpad, pos2)
    return out[:, :EMBED].reshape(B, Tcur, EMBED)

# --- scband reference (transcript-rebuilt; emitter-appended) ---
"""Pipeline reference for scband-embeddings-60644938219775 (READ-ONLY COPY).

The authoritative reference and input builder live on the scoring server;
editing this copy changes nothing except your own understanding.
"""

import jax, jax.numpy as jnp
import numpy as np

VOCAB = 1000000
EMBED = 64
MAX_SEQ = 512
B = 1024
T = 200

def setup_inputs(seed: int = 0) -> dict:
    key = jax.random.key(seed)
    k1, k2, k3 = jax.random.split(key, 3)
    x = jax.random.randint(k1, (B, T), 0, VOCAB, dtype=jnp.int64)
    token_emb = jax.random.normal(k2, (VOCAB, EMBED), dtype=jnp.float32)
    pos_emb = jax.random.normal(k3, (1, MAX_SEQ, EMBED), dtype=jnp.float32) * 0.02
    return {"x": x, "token_emb": token_emb, "pos_emb": pos_emb}

def reference(x, token_emb, pos_emb):
    # tok = self.token_emb(x)
    tok = jnp.take(token_emb, x, axis=0)
    # pos = self.pos_emb[:, :T, :]
    Tcur = x.shape[1]
    pos = pos_emb[:, :Tcur, :]
    # dropout is identity at inference
    return tok + pos

if __name__ == "__main__":
    import jax
    _d = setup_inputs()
    print(jax.jit(kernel)(*tuple(_d.values())))

</pallas_src>

<mosaic_0001>
#map = affine_map<(d0, d1) -> (0, 0, 0)>
#map1 = affine_map<(d0, d1) -> (0, 0)>
module attributes {stable_mosaic.version = 14 : i64} {
  func.func @_emb_body(%arg0: i32, %arg1: i32, %arg2: memref<32x50x128xi32, #tpu.memory_space<hbm>>, %arg3: memref<1000000x128xf32, #tpu.memory_space<hbm>>, %arg4: memref<400x128xf32, #tpu.memory_space<hbm>>, %arg5: memref<204800x128xf32, #tpu.memory_space<hbm>>, %arg6: memref<50x128xi32, #tpu.memory_space<vmem>>, %arg7: memref<3x128x128xf32, #tpu.memory_space<vmem>>, %arg8: memref<400x128xf32, #tpu.memory_space<vmem_shared>>, %arg9: memref<!tpu.dma_semaphore, #tpu.memory_space<semaphore_mem>>, %arg10: memref<!tpu.dma_semaphore, #tpu.memory_space<semaphore_mem>>, %arg11: memref<!tpu.dma_semaphore, #tpu.memory_space<semaphore_mem>>) attributes {dimension_semantics = [#tpu.dimension_semantics<core_parallel>, #tpu.dimension_semantics<subcore_parallel>], iteration_bounds = array<i64: 2, 16>, scalar_prefetch = 0 : i64, scratch_operands = 6 : i64, tpu.core_type = #tpu.core_type<sc_vector_subcore>, window_params = [{transform_indices = #map}, {transform_indices = #map1}, {transform_indices = #map1}, {transform_indices = #map1}]} {
    %mul3A = arith.constant 2 : i32
    %mul3A_0 = arith.muli %arg1, %mul3A : i32
    %add3A = arith.addi %mul3A_0, %arg0 : i32
    "tpu.region"() ({
      %run_scoped3A = tpu.sem_alloc : memref<!tpu.dma_semaphore, #tpu.memory_space<semaphore_mem>>
      %dma_start3A_63 = arith.constant 0 : i32
      %dma_start3A_64 = arith.constant 0 : i32
      %dma_start3A_65 = tpu.memref_slice %arg2[%add3A, %dma_start3A_63, %dma_start3A_64] : memref<32x50x128xi32, #tpu.memory_space<hbm>> -> memref<1x50x128xi32, #tpu.memory_space<hbm>>
      %dma_start3A_66 = tpu.memref_squeeze %dma_start3A_65 : memref<1x50x128xi32, #tpu.memory_space<hbm>> -> memref<50x128xi32, #tpu.memory_space<hbm>>
      %dma_start3A_67 = arith.constant 0 : i32
      %dma_start3A_68 = arith.constant 0 : i32
      %dma_start3A_69 = tpu.memref_slice %arg2[%add3A, %dma_start3A_67, %dma_start3A_68] : memref<32x50x128xi32, #tpu.memory_space<hbm>> -> memref<1x50x128xi32, #tpu.memory_space<hbm>>
      %dma_start3A_70 = tpu.memref_squeeze %dma_start3A_69 : memref<1x50x128xi32, #tpu.memory_space<hbm>> -> memref<50x128xi32, #tpu.memory_space<hbm>>
      tpu.enqueue_dma source(%dma_start3A_70 : memref<50x128xi32, #tpu.memory_space<hbm>>) target(%arg6 : memref<50x128xi32, #tpu.memory_space<vmem>>) target_semaphore(%run_scoped3A : memref<!tpu.dma_semaphore, #tpu.memory_space<semaphore_mem>>)
      %dma_wait3A_71 = arith.constant 0 : i32
      %dma_wait3A_72 = arith.constant 0 : i32
      %dma_wait3A_73 = tpu.memref_slice %arg2[%add3A, %dma_wait3A_71, %dma_wait3A_72] : memref<32x50x128xi32, #tpu.memory_space<hbm>> -> memref<1x50x128xi32, #tpu.memory_space<hbm>>
      %dma_wait3A_74 = tpu.memref_squeeze %dma_wait3A_73 : memref<1x50x128xi32, #tpu.memory_space<hbm>> -> memref<50x128xi32, #tpu.memory_space<hbm>>
      %dma_wait3A_75 = arith.constant 0 : i32
      %dma_wait3A_76 = arith.constant 0 : i32
      %dma_wait3A_77 = tpu.memref_slice %arg2[%add3A, %dma_wait3A_75, %dma_wait3A_76] : memref<32x50x128xi32, #tpu.memory_space<hbm>> -> memref<1x50x128xi32, #tpu.memory_space<hbm>>
      %dma_wait3A_78 = tpu.memref_squeeze %dma_wait3A_77 : memref<1x50x128xi32, #tpu.memory_space<hbm>> -> memref<50x128xi32, #tpu.memory_space<hbm>>
      tpu.wait_dma2 semaphore(%run_scoped3A : memref<!tpu.dma_semaphore, #tpu.memory_space<semaphore_mem>>) src(%dma_wait3A_78 : memref<50x128xi32, #tpu.memory_space<hbm>>) dst(%arg6 : memref<50x128xi32, #tpu.memory_space<vmem>>)
      tpu.yield
    }) : () -> ()
    %eq3A = arith.constant 0 : i32
    %eq3A_1 = arith.cmpi eq, %arg1, %eq3A : i32
    %convert_element_type3A = arith.extui %eq3A_1 : i1 to i32
    %cond3A = arith.constant 0 : i32
    %cond3A_2 = arith.cmpi ne, %convert_element_type3A, %cond3A : i32
    scf.if %cond3A_2 {
      "tpu.region"() ({
        %run_scoped3A = tpu.sem_alloc : memref<!tpu.dma_semaphore, #tpu.memory_space<semaphore_mem>>
        tpu.enqueue_dma source(%arg4 : memref<400x128xf32, #tpu.memory_space<hbm>>) target(%arg8 : memref<400x128xf32, #tpu.memory_space<vmem_shared>>) target_semaphore(%run_scoped3A : memref<!tpu.dma_semaphore, #tpu.memory_space<semaphore_mem>>)
        tpu.wait_dma2 semaphore(%run_scoped3A : memref<!tpu.dma_semaphore, #tpu.memory_space<semaphore_mem>>) src(%arg4 : memref<400x128xf32, #tpu.memory_space<hbm>>) dst(%arg8 : memref<400x128xf32, #tpu.memory_space<vmem_shared>>)
        tpu.yield
      }) : () -> ()
    } else {
    }
    %barrier3A = arith.constant 0 : index
    tpu.barrier barrier_id(%barrier3A)
    %mul3A_3 = arith.constant 6400 : i32
    %mul3A_4 = arith.muli %add3A, %mul3A_3 : i32
    %rem3A = arith.constant 0 : i32
    %rem3A_5 = arith.constant 200 : i32
    %rem3A_6 = arith.remsi %rem3A, %rem3A_5 : i32
    %multiple_of3A = tpu.assume_multiple %rem3A_6, 8 : i32
    %rem3A_7 = arith.constant 0 : i32
    %rem3A_8 = arith.constant 3 : i32
    %rem3A_9 = arith.remsi %rem3A_7, %rem3A_8 : i32
    %dma_start3A = arith.constant 0 : i32
    %dma_start3A_10 = arith.constant 0 : i32
    %dma_start3A_11 = tpu.memref_slice %arg7[%rem3A_9, %dma_start3A, %dma_start3A_10] : memref<3x128x128xf32, #tpu.memory_space<vmem>> -> memref<1x128x128xf32, #tpu.memory_space<vmem>>
    %dma_start3A_12 = tpu.memref_squeeze %dma_start3A_11 : memref<1x128x128xf32, #tpu.memory_space<vmem>> -> memref<128x128xf32, #tpu.memory_space<vmem>>
    %dma_start3A_13 = arith.constant 0 : i32
    %dma_start3A_14 = tpu.memref_slice %arg8[%multiple_of3A, %dma_start3A_13] : memref<400x128xf32, #tpu.memory_space<vmem_shared>> -> memref<128x128xf32, #tpu.memory_space<vmem_shared>>
    %dma_start3A_15 = arith.constant 0 : i32
    %dma_start3A_16 = arith.constant 0 : i32
    %dma_start3A_17 = tpu.memref_slice %arg7[%rem3A_9, %dma_start3A_15, %dma_start3A_16] : memref<3x128x128xf32, #tpu.memory_space<vmem>> -> memref<1x128x128xf32, #tpu.memory_space<vmem>>
    %dma_start3A_18 = tpu.memref_squeeze %dma_start3A_17 : memref<1x128x128xf32, #tpu.memory_space<vmem>> -> memref<128x128xf32, #tpu.memory_space<vmem>>
    %dma_start3A_19 = arith.constant 0 : i32
    %dma_start3A_20 = tpu.memref_slice %arg8[%multiple_of3A, %dma_start3A_19] : memref<400x128xf32, #tpu.memory_space<vmem_shared>> -> memref<128x128xf32, #tpu.memory_space<vmem_shared>>
    tpu.enqueue_dma source(%dma_start3A_20 : memref<128x128xf32, #tpu.memory_space<vmem_shared>>) target(%dma_start3A_18 : memref<128x128xf32, #tpu.memory_space<vmem>>) target_semaphore(%arg11 : memref<!tpu.dma_semaphore, #tpu.memory_space<semaphore_mem>>)
    %scan3A = arith.constant 0 : i32
    %scan3A_21 = arith.constant 50 : i32
    %scan3A_22 = arith.addi %scan3A, %scan3A_21 : i32
    %scan3A_23 = arith.constant 1 : i32
    scf.for %scan3A_63 = %scan3A to %scan3A_22 step %scan3A_23  : i32 {
      %rem3A_64 = arith.constant 3 : i32
      %rem3A_65 = arith.remsi %scan3A_63, %rem3A_64 : i32
      %dma_wait3A_66 = arith.constant 0 : i32
      %dma_wait3A_67 = arith.constant 0 : i32
      %dma_wait3A_68 = arith.constant 0 : i32
      %dma_wait3A_69 = tpu.memref_slice %arg7[%dma_wait3A_66, %dma_wait3A_67, %dma_wait3A_68] : memref<3x128x128xf32, #tpu.memory_space<vmem>> -> memref<1x128x128xf32, #tpu.memory_space<vmem>>
      %dma_wait3A_70 = tpu.memref_squeeze %dma_wait3A_69 : memref<1x128x128xf32, #tpu.memory_space<vmem>> -> memref<128x128xf32, #tpu.memory_space<vmem>>
      %dma_wait3A_71 = arith.constant 0 : i32
      %dma_wait3A_72 = arith.constant 0 : i32
      %dma_wait3A_73 = tpu.memref_slice %arg8[%dma_wait3A_71, %dma_wait3A_72] : memref<400x128xf32, #tpu.memory_space<vmem_shared>> -> memref<128x128xf32, #tpu.memory_space<vmem_shared>>
      %dma_wait3A_74 = arith.constant 0 : i32
      %dma_wait3A_75 = arith.constant 0 : i32
      %dma_wait3A_76 = tpu.memref_slice %arg7[%dma_wait3A_66, %dma_wait3A_74, %dma_wait3A_75] : memref<3x128x128xf32, #tpu.memory_space<vmem>> -> memref<1x128x128xf32, #tpu.memory_space<vmem>>
      %dma_wait3A_77 = tpu.memref_squeeze %dma_wait3A_76 : memref<1x128x128xf32, #tpu.memory_space<vmem>> -> memref<128x128xf32, #tpu.memory_space<vmem>>
      %dma_wait3A_78 = arith.constant 0 : i32
      %dma_wait3A_79 = arith.constant 0 : i32
      %dma_wait3A_80 = tpu.memref_slice %arg8[%dma_wait3A_78, %dma_wait3A_79] : memref<400x128xf32, #tpu.memory_space<vmem_shared>> -> memref<128x128xf32, #tpu.memory_space<vmem_shared>>
      tpu.wait_dma2 semaphore(%arg11 : memref<!tpu.dma_semaphore, #tpu.memory_space<semaphore_mem>>) src(%dma_wait3A_80 : memref<128x128xf32, #tpu.memory_space<vmem_shared>>) dst(%dma_wait3A_77 : memref<128x128xf32, #tpu.memory_space<vmem>>)
      %add3A_81 = arith.constant 1 : i32
      %add3A_82 = arith.addi %scan3A_63, %add3A_81 : i32
      %lt3A = arith.constant 50 : i32
      %lt3A_83 = arith.cmpi slt, %add3A_82, %lt3A : i32
      %convert_element_type3A_84 = arith.extui %lt3A_83 : i1 to i32
      %cond3A_85 = arith.constant 0 : i32
      %cond3A_86 = arith.cmpi ne, %convert_element_type3A_84, %cond3A_85 : i32
      scf.if %cond3A_86 {
        %ge3A = arith.constant 2 : i32
        %ge3A_123 = arith.cmpi sge, %scan3A_63, %ge3A : i32
        %convert_element_type3A_124 = arith.extui %ge3A_123 : i1 to i32
        %cond3A_125 = arith.constant 0 : i32
        %cond3A_126 = arith.cmpi ne, %convert_element_type3A_124, %cond3A_125 : i32
        scf.if %cond3A_126 {
          %dma_wait3A_148 = arith.constant 0 : i32
          %dma_wait3A_149 = arith.constant 0 : i32
          %dma_wait3A_150 = arith.constant 0 : i32
          %dma_wait3A_151 = tpu.memref_slice %arg7[%dma_wait3A_148, %dma_wait3A_149, %dma_wait3A_150] : memref<3x128x128xf32, #tpu.memory_space<vmem>> -> memref<1x128x128xf32, #tpu.memory_space<vmem>>
          %dma_wait3A_152 = tpu.memref_squeeze %dma_wait3A_151 : memref<1x128x128xf32, #tpu.memory_space<vmem>> -> memref<128x128xf32, #tpu.memory_space<vmem>>
          %dma_wait3A_153 = arith.constant 0 : i32
          %dma_wait3A_154 = tpu.memref_slice %arg5[%mul3A_4, %dma_wait3A_153] : memref<204800x128xf32, #tpu.memory_space<hbm>> -> memref<128x128xf32, #tpu.memory_space<hbm>>
          %dma_wait3A_155 = arith.constant 0 : i32
          %dma_wait3A_156 = tpu.memref_slice %arg5[%mul3A_4, %dma_wait3A_155] : memref<204800x128xf32, #tpu.memory_space<hbm>> -> memref<128x128xf32, #tpu.memory_space<hbm>>
          %dma_wait3A_157 = arith.constant 0 : i32
          %dma_wait3A_158 = arith.constant 0 : i32
          %dma_wait3A_159 = tpu.memref_slice %arg7[%dma_wait3A_148, %dma_wait3A_157, %dma_wait3A_158] : memref<3x128x128xf32, #tpu.memory_space<vmem>> -> memref<1x128x128xf32, #tpu.memory_space<vmem>>
          %dma_wait3A_160 = tpu.memref_squeeze %dma_wait3A_159 : memref<1x128x128xf32, #tpu.memory_space<vmem>> -> memref<128x128xf32, #tpu.memory_space<vmem>>
          tpu.wait_dma2 semaphore(%arg10 : memref<!tpu.dma_semaphore, #tpu.memory_space<semaphore_mem>>) src(%dma_wait3A_160 : memref<128x128xf32, #tpu.memory_space<vmem>>) dst(%dma_wait3A_156 : memref<128x128xf32, #tpu.memory_space<hbm>>)
        } else {
        }
        %add3A_127 = arith.constant 1 : i32
        %add3A_128 = arith.addi %scan3A_63, %add3A_127 : i32
        %mul3A_129 = arith.constant 128 : i32
        %mul3A_130 = arith.muli %add3A_128, %mul3A_129 : i32
        %rem3A_131 = arith.constant 200 : i32
        %rem3A_132 = arith.remsi %mul3A_130, %rem3A_131 : i32
        %multiple_of3A_133 = tpu.assume_multiple %rem3A_132, 8 : i32
        %rem3A_134 = arith.constant 3 : i32
        %rem3A_135 = arith.remsi %add3A_128, %rem3A_134 : i32
        %dma_start3A_136 = arith.constant 0 : i32
        %dma_start3A_137 = arith.constant 0 : i32
        %dma_start3A_138 = tpu.memref_slice %arg7[%rem3A_135, %dma_start3A_136, %dma_start3A_137] : memref<3x128x128xf32, #tpu.memory_space<vmem>> -> memref<1x128x128xf32, #tpu.memory_space<vmem>>
        %dma_start3A_139 = tpu.memref_squeeze %dma_start3A_138 : memref<1x128x128xf32, #tpu.memory_space<vmem>> -> memref<128x128xf32, #tpu.memory_space<vmem>>
        %dma_start3A_140 = arith.constant 0 : i32
        %dma_start3A_141 = tpu.memref_slice %arg8[%multiple_of3A_133, %dma_start3A_140] : memref<400x128xf32, #tpu.memory_space<vmem_shared>> -> memref<128x128xf32, #tpu.memory_space<vmem_shared>>
        %dma_start3A_142 = arith.constant 0 : i32
        %dma_start3A_143 = arith.constant 0 : i32
        %dma_start3A_144 = tpu.memref_slice %arg7[%rem3A_135, %dma_start3A_142, %dma_start3A_143] : memref<3x128x128xf32, #tpu.memory_space<vmem>> -> memref<1x128x128xf32, #tpu.memory_space<vmem>>
        %dma_start3A_145 = tpu.memref_squeeze %dma_start3A_144 : memref<1x128x128xf32, #tpu.memory_space<vmem>> -> memref<128x128xf32, #tpu.memory_space<vmem>>
        %dma_start3A_146 = arith.constant 0 : i32
        %dma_start3A_147 = tpu.memref_slice %arg8[%multiple_of3A_133, %dma_start3A_146] : memref<400x128xf32, #tpu.memory_space<vmem_shared>> -> memref<128x128xf32, #tpu.memory_space<vmem_shared>>
        tpu.enqueue_dma source(%dma_start3A_147 : memref<128x128xf32, #tpu.memory_space<vmem_shared>>) target(%dma_start3A_145 : memref<128x128xf32, #tpu.memory_space<vmem>>) target_semaphore(%arg11 : memref<!tpu.dma_semaphore, #tpu.memory_space<semaphore_mem>>)
      } else {
      }
      %dma_start3A_87 = arith.constant 0 : i32
      %dma_start3A_88 = arith.constant 0 : i32
      %dma_start3A_89 = tpu.memref_slice %arg7[%rem3A_65, %dma_start3A_87, %dma_start3A_88] : memref<3x128x128xf32, #tpu.memory_space<vmem>> -> memref<1x128x128xf32, #tpu.memory_space<vmem>>
      %dma_start3A_90 = tpu.memref_squeeze %dma_start3A_89 : memref<1x128x128xf32, #tpu.memory_space<vmem>> -> memref<128x128xf32, #tpu.memory_space<vmem>>
      %dma_start3A_91 = arith.constant 0 : i32
      %dma_start3A_92 = tpu.memref_slice %arg6[%scan3A_63, %dma_start3A_91] : memref<50x128xi32, #tpu.memory_space<vmem>> -> memref<1x128xi32, #tpu.memory_space<vmem>>
      %dma_start3A_93 = tpu.memref_squeeze %dma_start3A_92 : memref<1x128xi32, #tpu.memory_space<vmem>> -> memref<128xi32, #tpu.memory_space<vmem>>
      %dma_start3A_94 = arith.constant 0 : i32
      %dma_start3A_95 = arith.constant 0 : i32
      %dma_start3A_96 = tpu.memref_slice %arg3[%dma_start3A_94, %dma_start3A_95] : memref<1000000x128xf32, #tpu.memory_space<hbm>> -> memref<1000000x128xf32, #tpu.memory_space<hbm>>
      tpu.enqueue_indirect_dma source(%dma_start3A_96 : memref<1000000x128xf32, #tpu.memory_space<hbm>>) target(%dma_start3A_90 : memref<128x128xf32, #tpu.memory_space<vmem>>) offsets(%dma_start3A_93 : memref<128xi32, #tpu.memory_space<vmem>>) semaphore(%arg9 : memref<!tpu.dma_semaphore, #tpu.memory_space<semaphore_mem>>) {add = true}
      %dma_wait3A_97 = arith.constant 0 : i32
      %dma_wait3A_98 = arith.constant 0 : i32
      %dma_wait3A_99 = tpu.memref_slice %arg7[%rem3A_65, %dma_wait3A_97, %dma_wait3A_98] : memref<3x128x128xf32, #tpu.memory_space<vmem>> -> memref<1x128x128xf32, #tpu.memory_space<vmem>>
      %dma_wait3A_100 = tpu.memref_squeeze %dma_wait3A_99 : memref<1x128x128xf32, #tpu.memory_space<vmem>> -> memref<128x128xf32, #tpu.memory_space<vmem>>
      %dma_wait3A_101 = arith.constant 0 : i32
      %dma_wait3A_102 = tpu.memref_slice %arg6[%scan3A_63, %dma_wait3A_101] : memref<50x128xi32, #tpu.memory_space<vmem>> -> memref<1x128xi32, #tpu.memory_space<vmem>>
      %dma_wait3A_103 = tpu.memref_squeeze %dma_wait3A_102 : memref<1x128xi32, #tpu.memory_space<vmem>> -> memref<128xi32, #tpu.memory_space<vmem>>
      %dma_wait3A_104 = arith.constant 0 : i32
      %dma_wait3A_105 = arith.constant 0 : i32
      %dma_wait3A_106 = tpu.memref_slice %arg3[%dma_wait3A_104, %dma_wait3A_105] : memref<1000000x128xf32, #tpu.memory_space<hbm>> -> memref<1000000x128xf32, #tpu.memory_space<hbm>>
      tpu.wait_indirect_dma semaphore(%arg9 : memref<!tpu.dma_semaphore, #tpu.memory_space<semaphore_mem>>) src(%dma_wait3A_106 : memref<1000000x128xf32, #tpu.memory_space<hbm>>) dst(%dma_wait3A_100 : memref<128x128xf32, #tpu.memory_space<vmem>>)
      %mul3A_107 = arith.constant 128 : i32
      %mul3A_108 = arith.muli %scan3A_63, %mul3A_107 : i32
      %add3A_109 = arith.addi %mul3A_4, %mul3A_108 : i32
      %multiple_of3A_110 = tpu.assume_multiple %add3A_109, 128 : i32
      %dma_start3A_111 = arith.constant 0 : i32
      %dma_start3A_112 = arith.constant 0 : i32
      %dma_start3A_113 = tpu.memref_slice %arg7[%rem3A_65, %dma_start3A_111, %dma_start3A_112] : memref<3x128x128xf32, #tpu.memory_space<vmem>> -> memref<1x128x128xf32, #tpu.memory_space<vmem>>
      %dma_start3A_114 = tpu.memref_squeeze %dma_start3A_113 : memref<1x128x128xf32, #tpu.memory_space<vmem>> -> memref<128x128xf32, #tpu.memory_space<vmem>>
      %dma_start3A_115 = arith.constant 0 : i32
      %dma_start3A_116 = tpu.memref_slice %arg5[%multiple_of3A_110, %dma_start3A_115] : memref<204800x128xf32, #tpu.memory_space<hbm>> -> memref<128x128xf32, #tpu.memory_space<hbm>>
      %dma_start3A_117 = arith.constant 0 : i32
      %dma_start3A_118 = tpu.memref_slice %arg5[%multiple_of3A_110, %dma_start3A_117] : memref<204800x128xf32, #tpu.memory_space<hbm>> -> memref<128x128xf32, #tpu.memory_space<hbm>>
      %dma_start3A_119 = arith.constant 0 : i32
      %dma_start3A_120 = arith.constant 0 : i32
      %dma_start3A_121 = tpu.memref_slice %arg7[%rem3A_65, %dma_start3A_119, %dma_start3A_120] : memref<3x128x128xf32, #tpu.memory_space<vmem>> -> memref<1x128x128xf32, #tpu.memory_space<vmem>>
      %dma_start3A_122 = tpu.memref_squeeze %dma_start3A_121 : memref<1x128x128xf32, #tpu.memory_space<vmem>> -> memref<128x128xf32, #tpu.memory_space<vmem>>
      tpu.enqueue_dma source(%dma_start3A_122 : memref<128x128xf32, #tpu.memory_space<vmem>>) target(%dma_start3A_118 : memref<128x128xf32, #tpu.memory_space<hbm>>) target_semaphore(%arg10 : memref<!tpu.dma_semaphore, #tpu.memory_space<semaphore_mem>>)
    }
    %scan3A_24 = arith.constant 50 : i32
    %dma_wait3A = arith.constant 0 : i32
    %dma_wait3A_25 = arith.constant 0 : i32
    %dma_wait3A_26 = arith.constant 0 : i32
    %dma_wait3A_27 = tpu.memref_slice %arg7[%dma_wait3A, %dma_wait3A_25, %dma_wait3A_26] : memref<3x128x128xf32, #tpu.memory_space<vmem>> -> memref<1x128x128xf32, #tpu.memory_space<vmem>>
    %dma_wait3A_28 = tpu.memref_squeeze %dma_wait3A_27 : memref<1x128x128xf32, #tpu.memory_space<vmem>> -> memref<128x128xf32, #tpu.memory_space<vmem>>
    %dma_wait3A_29 = arith.constant 0 : i32
    %dma_wait3A_30 = tpu.memref_slice %arg5[%mul3A_4, %dma_wait3A_29] : memref<204800x128xf32, #tpu.memory_space<hbm>> -> memref<128x128xf32, #tpu.memory_space<hbm>>
    %dma_wait3A_31 = arith.constant 0 : i32
    %dma_wait3A_32 = tpu.memref_slice %arg5[%mul3A_4, %dma_wait3A_31] : memref<204800x128xf32, #tpu.memory_space<hbm>> -> memref<128x128xf32, #tpu.memory_space<hbm>>
    %dma_wait3A_33 = arith.constant 0 : i32
    %dma_wait3A_34 = arith.constant 0 : i32
    %dma_wait3A_35 = tpu.memref_slice %arg7[%dma_wait3A, %dma_wait3A_33, %dma_wait3A_34] : memref<3x128x128xf32, #tpu.memory_space<vmem>> -> memref<1x128x128xf32, #tpu.memory_space<vmem>>
    %dma_wait3A_36 = tpu.memref_squeeze %dma_wait3A_35 : memref<1x128x128xf32, #tpu.memory_space<vmem>> -> memref<128x128xf32, #tpu.memory_space<vmem>>
    tpu.wait_dma2 semaphore(%arg10 : memref<!tpu.dma_semaphore, #tpu.memory_space<semaphore_mem>>) src(%dma_wait3A_36 : memref<128x128xf32, #tpu.memory_space<vmem>>) dst(%dma_wait3A_32 : memref<128x128xf32, #tpu.memory_space<hbm>>)
    %dma_wait3A_37 = arith.constant 0 : i32
    %dma_wait3A_38 = arith.constant 0 : i32
    %dma_wait3A_39 = arith.constant 0 : i32
    %dma_wait3A_40 = tpu.memref_slice %arg7[%dma_wait3A_37, %dma_wait3A_38, %dma_wait3A_39] : memref<3x128x128xf32, #tpu.memory_space<vmem>> -> memref<1x128x128xf32, #tpu.memory_space<vmem>>
    %dma_wait3A_41 = tpu.memref_squeeze %dma_wait3A_40 : memref<1x128x128xf32, #tpu.memory_space<vmem>> -> memref<128x128xf32, #tpu.memory_space<vmem>>
    %dma_wait3A_42 = arith.constant 0 : i32
    %dma_wait3A_43 = tpu.memref_slice %arg5[%mul3A_4, %dma_wait3A_42] : memref<204800x128xf32, #tpu.memory_space<hbm>> -> memref<128x128xf32, #tpu.memory_space<hbm>>
    %dma_wait3A_44 = arith.constant 0 : i32
    %dma_wait3A_45 = tpu.memref_slice %arg5[%mul3A_4, %dma_wait3A_44] : memref<204800x128xf32, #tpu.memory_space<hbm>> -> memref<128x128xf32, #tpu.memory_space<hbm>>
    %dma_wait3A_46 = arith.constant 0 : i32
    %dma_wait3A_47 = arith.constant 0 : i32
    %dma_wait3A_48 = tpu.memref_slice %arg7[%dma_wait3A_37, %dma_wait3A_46, %dma_wait3A_47] : memref<3x128x128xf32, #tpu.memory_space<vmem>> -> memref<1x128x128xf32, #tpu.memory_space<vmem>>
    %dma_wait3A_49 = tpu.memref_squeeze %dma_wait3A_48 : memref<1x128x128xf32, #tpu.memory_space<vmem>> -> memref<128x128xf32, #tpu.memory_space<vmem>>
    tpu.wait_dma2 semaphore(%arg10 : memref<!tpu.dma_semaphore, #tpu.memory_space<semaphore_mem>>) src(%dma_wait3A_49 : memref<128x128xf32, #tpu.memory_space<vmem>>) dst(%dma_wait3A_45 : memref<128x128xf32, #tpu.memory_space<hbm>>)
    %dma_wait3A_50 = arith.constant 0 : i32
    %dma_wait3A_51 = arith.constant 0 : i32
    %dma_wait3A_52 = arith.constant 0 : i32
    %dma_wait3A_53 = tpu.memref_slice %arg7[%dma_wait3A_50, %dma_wait3A_51, %dma_wait3A_52] : memref<3x128x128xf32, #tpu.memory_space<vmem>> -> memref<1x128x128xf32, #tpu.memory_space<vmem>>
    %dma_wait3A_54 = tpu.memref_squeeze %dma_wait3A_53 : memref<1x128x128xf32, #tpu.memory_space<vmem>> -> memref<128x128xf32, #tpu.memory_space<vmem>>
    %dma_wait3A_55 = arith.constant 0 : i32
    %dma_wait3A_56 = tpu.memref_slice %arg5[%mul3A_4, %dma_wait3A_55] : memref<204800x128xf32, #tpu.memory_space<hbm>> -> memref<128x128xf32, #tpu.memory_space<hbm>>
    %dma_wait3A_57 = arith.constant 0 : i32
    %dma_wait3A_58 = tpu.memref_slice %arg5[%mul3A_4, %dma_wait3A_57] : memref<204800x128xf32, #tpu.memory_space<hbm>> -> memref<128x128xf32, #tpu.memory_space<hbm>>
    %dma_wait3A_59 = arith.constant 0 : i32
    %dma_wait3A_60 = arith.constant 0 : i32
    %dma_wait3A_61 = tpu.memref_slice %arg7[%dma_wait3A_50, %dma_wait3A_59, %dma_wait3A_60] : memref<3x128x128xf32, #tpu.memory_space<vmem>> -> memref<1x128x128xf32, #tpu.memory_space<vmem>>
    %dma_wait3A_62 = tpu.memref_squeeze %dma_wait3A_61 : memref<1x128x128xf32, #tpu.memory_space<vmem>> -> memref<128x128xf32, #tpu.memory_space<vmem>>
    tpu.wait_dma2 semaphore(%arg10 : memref<!tpu.dma_semaphore, #tpu.memory_space<semaphore_mem>>) src(%dma_wait3A_62 : memref<128x128xf32, #tpu.memory_space<vmem>>) dst(%dma_wait3A_58 : memref<128x128xf32, #tpu.memory_space<hbm>>)
    return
  }
}

</mosaic_0001>

<sc_bundles>
// kernel: kernel.3.cloned.1.call-start
scs
__scs_entry_jumppad:
0x0: {  	(pc) =	sbr.rel $0x88, $3  }
0x1: {  	(tag) =	ssettag $0x0;
	lr =	simm.s32 $0x1  }
0x2: {  	[smem:$0x3F9E] =	sst lr;
	_ =	strace $0xD0000000  }
0x3: {  	_ = 	snop  }
0x4: {  	_ = 	snop  }
0x5: {  	_ = 	snop  }
0x6: {  	_ = 	snop  }
0x7: {  	_ = 	snop  }
__scs_overlays_trampoline_lowered:
0x8: {  	[smem:$0x3FAD] =	sst s0  }
0x9: {  	[smem:$0x3FAE] =	sst s1  }
0xa: {  	[smem:$0x3FAF] =	sst s2  }
0xb: {  	[smem:$0x3FB0] =	sst s3  }
0xc: {  	[smem:$0x3FB1] =	sst s4  }
0xd: {  	[smem:$0x3FB2] =	sst s5  }
0xe: {  	[smem:$0x3FB3] =	sst s6  }
0xf: {  	[smem:$0x3FB4] =	sst s7  }
0x10: {  	[smem:$0x3FB5] =	sst s8  }
0x11: {  	[smem:$0x3FB6] =	sst s9;
	s0 =	simm.s32 @!p0 $0x0  }
0x12: {  	s1 =	sld [smem:$0x3F9C];
	s0 =	simm.s32 @p0 $0x1  }
0x13: {  	[smem:$0x3FB7] =	sst s0;
	s0 =	simm.s32 @!p1 $0x0  }
0x14: {  	s2 =	sld [smem:$0x3F9B];
	s0 =	simm.s32 @p1 $0x1  }
0x15: {  	[smem:$0x3FB8] =	sst s0;
	s0 =	simm.s32 @!p2 $0x0  }
0x16: {  	s3 =	sld [smem:$0x3FDB];
	s0 =	simm.s32 @p2 $0x1  }
0x17: {  	s4 =	simm.s32 $0x1BF5;
	[smem:$0x3FBA] =	sst s0  }
0x18: {  	s0 =	sld [smem:$0x3F9D];
	_ =	swait.ge [sflag:s4], $0x0  }
0x19: {  	s7 =	sld [smem:$0x3F9E]  }
0x1a: {  	s8 =	sadd.s32 $0xFFFFE003, lr  }
0x1b: {  	s9 =	sadd.s32 $0xFFFFFEF7, lr;
	s5 =	simm.s32 $0xFFFFFFFF;
	p2 =	slt.u32 s8, $0xFFFFF086  }
0x1c: {  	p1 =	slt.u32 s9, $0xF7A;
	s5 =	simm.s32 @!p2 $0x0  }
0x1d: {  	s5 =	simm.s32 @p1 $0x1;
	p0 =	seq.s32 s7, s2  }
0x1e: {  	s7 =	smul.u32 @!p0 $0xF7A, s2;
	p2 =	seq.s32 @!p0 s5, $0x0  }
0x1f: {  	s9 =	smul.u32 $0xF7A, s1;
	s8 =	simm.s32 @!p0 $0x1BF5;
	p2 =	por !p2, p0  }
0x20: {  	[sflag:s8] =	ssyncset.s32 @!p0 $0xFFFFF086;
	s6 =	sadd.s32 @!p0 s3, s7;
	s7 =	simm.s32 @!p0 $0x108  }
0x21: {  	s3 =	sadd.s32 s3, s9;
	s6 =	sadd.s32 @!p0 $0x88, s6;
	s7 =	simm.s32 @p2 $0x1082  }
0x22: {  	[simem:s7], [sflag:s8] =	dma.local @!p0 [hbm:s6], $0xF7A  }
0x23: {  	s9 =	sor.u32 $0xD0000000, s2;
	s6 =	simm.s32 $0x108;
	_ =	swait.ge @!p0 [sflag:s8], $0x0  }
0x24: {  	s3 =	sadd.s32 $0x88, s3;
	s6 =	simm.s32 @!p1 $0x1082;
	[sflag:s4] =	ssyncset.s32 $0xFFFFF086  }
0x25: {  	[simem:s6], [sflag:s4] =	dma.local [hbm:s3], $0xF7A  }
0x26: {  	[smem:$0x3F9E] =	sst s1;
	(tag) =	ssettag s2;
	_ =	strace s9  }
0x27: {  	s1 =	sld [smem:$0x3FAE]  }
0x28: {  	s2 =	sld [smem:$0x3FAF]  }
0x29: {  	s4 =	sld [smem:$0x3FB1]  }
0x2a: {  	p0 =	seq.s32 s5, $0x0;
	s5 =	sld [smem:$0x3FB2]  }
0x2b: {  	s6 =	sld [smem:$0x3FB3]  }
0x2c: {  	s7 =	sld [smem:$0x3FB4]  }
0x2d: {  	s3 =	simm.s32 $0x108;
	s8 =	sld [smem:$0x3FB5]  }
0x2e: {  	s3 =	simm.s32 @!p0 $0x1082;
	s9 =	sld [smem:$0x3FB6]  }
0x2f: {  	lr =	sadd.s32 s0, s3;
	s0 =	sld [smem:$0x3FAD]  }
0x30: {  	s3 =	sld [smem:$0x3FB0]  }
0x31: {  	[smem:$0x3FB9] =	sst s10  }
0x32: {  	s10 =	sld [smem:$0x3FB7];
	_ =	sdelay $0x3  }
0x33: {  	p0 =	seq.s32 s10, $0x1;
	s10 =	sld [smem:$0x3FB9];
	_ =	sdelay $0x3  }
0x34: {  	[smem:$0x3FB9] =	sst s10  }
0x35: {  	s10 =	sld [smem:$0x3FB8];
	_ =	sdelay $0x3  }
0x36: {  	p1 =	seq.s32 s10, $0x1;
	s10 =	sld [smem:$0x3FB9];
	_ =	sdelay $0x3  }
0x37: {  	[smem:$0x3FB9] =	sst s10  }
0x38: {  	s10 =	sld [smem:$0x3FBA]  }
0x39: {  	_ = 	snop;
	(pc) =	sbr.ind lr, $3  }
0x3a: {  	_ = 	snop  }
0x3b: {  	_ = 	snop  }
0x3c: {  	p2 =	seq.s32 s10, $0x1;
	s10 =	sld [smem:$0x3FB9]  }
0x3d: {  	_ =	shalt  }
0x3e: {  	_ =	shalt  }
0x3f: {  	_ =	shalt  }
0x40: {  	_ =	shalt  }
0x41: {  	_ =	shalt  }
0x42: {  	_ =	shalt  }
0x43: {  	_ =	shalt  }
0x44: {  	_ =	shalt  }
0x45: {  	_ =	shalt  }
0x46: {  	_ =	shalt  }
0x47: {  	_ =	shalt  }
0x48: {  	_ =	shalt  }
0x49: {  	_ =	shalt  }
0x4a: {  	_ =	shalt  }
0x4b: {  	_ =	shalt  }
0x4c: {  	_ =	shalt  }
0x4d: {  	_ =	shalt  }
0x4e: {  	_ =	shalt  }
0x4f: {  	_ =	shalt  }
0x50: {  	_ =	shalt  }
0x51: {  	_ =	shalt  }
0x52: {  	_ =	shalt  }
0x53: {  	_ =	shalt  }
0x54: {  	_ =	shalt  }
0x55: {  	_ =	shalt  }
0x56: {  	_ =	shalt  }
0x57: {  	_ =	shalt  }
0x58: {  	_ =	shalt  }
0x59: {  	_ =	shalt  }
0x5a: {  	_ =	shalt  }
0x5b: {  	_ =	shalt  }
0x5c: {  	_ =	shalt  }
0x5d: {  	_ =	shalt  }
0x5e: {  	_ =	shalt  }
0x5f: {  	_ =	shalt  }
0x60: {  	_ =	shalt  }
0x61: {  	_ =	shalt  }
0x62: {  	_ =	shalt  }
0x63: {  	_ =	shalt  }
0x64: {  	_ =	shalt  }
0x65: {  	_ =	shalt  }
0x66: {  	_ =	shalt  }
0x67: {  	_ =	shalt  }
0x68: {  	_ =	shalt  }
0x69: {  	_ =	shalt  }
0x6a: {  	_ =	shalt  }
0x6b: {  	_ =	shalt  }
0x6c: {  	_ =	shalt  }
0x6d: {  	_ =	shalt  }
0x6e: {  	_ =	shalt  }
0x6f: {  	_ =	shalt  }
0x70: {  	_ =	shalt  }
0x71: {  	_ =	shalt  }
0x72: {  	_ =	shalt  }
0x73: {  	_ =	shalt  }
0x74: {  	_ =	shalt  }
0x75: {  	_ =	shalt  }
0x76: {  	_ =	shalt  }
0x77: {  	_ =	shalt  }
0x78: {  	_ =	shalt  }
0x79: {  	_ =	shalt  }
0x7a: {  	_ =	shalt  }
0x7b: {  	_ =	shalt  }
0x7c: {  	_ =	shalt  }
0x7d: {  	_ =	shalt  }
0x7e: {  	_ =	shalt  }
0x7f: {  	_ =	shalt  }
0x80: {  	_ =	shalt  }
0x81: {  	_ =	shalt  }
0x82: {  	_ =	shalt  }
0x83: {  	_ =	shalt  }
0x84: {  	_ =	shalt  }
0x85: {  	_ =	shalt  }
0x86: {  	_ =	shalt  }
0x87: {  	_ =	shalt  }
.Lfunc_end0:
.L_simem_size_0:
called_computation.1_lowered:
.L_overlay_start_0:
0x88: {  	s2 =	sld [smem:$0x3FD9]  }
0x89: {  	s3 =	sld [smem:$0x3FFE];
	_ =	sdelay $0x1  }
0x8a: {  	s1 =	srdreg.scid  }
0x8b: {  	s0 =	sand.u32 $0x1, s1  }
0x8c: {  	s17 =	sshll.u32 s0, $0xA;
	s2 =	sadd.s32 s3, s2  }
0x8d: {  	s2 =	sadd.s32 s2, s17  }
0x8e: {  	[smem:$0x3FC5] =	sst s2  }
0x8f: {  	_ = 	snop  }
0x90: {  	s2 =	sld [smem:$0x3FD0];
	(tm) =	ssettm $0x1  }
0x91: {  	s18 =	sld [smem:$0x3FFB];
	_ =	sdelay $0x3  }
0x92: {  	_ =	strace s18  }
0x93: {  	s3 =	sld [smem:$0x3FFC];
	_ =	sdelay $0x3  }
0x94: {  	_ =	strace s3  }
0x95: {  	s3 =	sld [smem:$0x3FFD];
	_ =	sdelay $0x3  }
0x96: {  	_ =	strace s3  }
0x97: {  	_ =	strace $0x8FFFFFFF  }
0x98: {  	s19 =	sld [smem:$0x3FDB];
	_ =	sdelay $0x1  }
0x99: {  	s4 =	simm.s32 $_scs_section_size  }
0x9a: {  	s5 =	simm.s32 $_size__tile_overlayer_lowered;
	s6 =	simm.s32 $_tile_overlayer_lowered  }
0x9b: {  	s22 =	simm.s32 $0x1BFF;
	s21 =	sshll.u32 s6, $0x1;
	s3 =	sadd.s32 s4, s19  }
0x9c: {  	s7 =	simm.s32 $0x0;
	s20 =	sshll.u32 s5, $0x1;
	s5 =	sadd.s32 s21, s3  }
0x9d: {  	[timem:s7], [sflag:s22] =	dma.local [hbm:s5], s20  }
0x9e: {  	_ =	swait.ge [sflag:s22], s20  }
0x9f: {  	s4 =	ssub.s32 $0x0, s20;
	[sflag:s22] =	ssyncset.done $0x0  }
0xa0: {  	[sflag:s22] =	ssyncadd.s32 s4;
	_ =	sdelay $0x1  }
0xa1: {  	s23 =	simm.s32 $0x1B8B  }
0xa2: {  	_ =	swait.ge [sflag:s23], $0x1  }
0xa3: {  	[sflag:s23] =	ssyncset.done $0x0  }
0xa4: {  	s25 =	simm.s32 $0x1B8E;
	s24 =	sld [smem:$0x3FFE];
	[sflag:s23] =	ssyncadd.s32 $0xFFFFFFFF  }
0xa5: {  	s26 =	simm.s32 $execute0_lowered;
	[smem:$0x3FD2] =	sst s25  }
0xa6: {  	s5 =	sshll.u32 s26, $0x1;
	_ =	strace $0x80000046;
	[dreg:$0x1] =	wrdreg $0xFFFFFFFF  }
0xa7: {  	s28 =	simm.s32 $_size_execute0_lowered;
	s3 =	sadd.s32 s3, s5;
	[dreg:$0x0] =	wrdreg $0x0  }
0xa8: {  	s5 =	sshll.u32 s28, $0x1;
	[dreg:$0x2] =	wrdreg s3  }
0xa9: {  	[dreg:$0x3] =	wrdreg s5  }
0xaa: {  	[dreg:$0x4] =	wrdreg $0xC0  }
0xab: {  	_ =	task [dreg:s7], $0x5FFFF  }
0xac: {  	[dreg:$0x1] =	wrdreg $0xFFFFFFFF  }
0xad: {  	[dreg:$0x0] =	wrdreg $0x60  }
0xae: {  	[dreg:$0x2] =	wrdreg s2  }
0xaf: {  	[dreg:$0x3] =	wrdreg s24  }
0xb0: {  	[dreg:$0x4] =	wrdreg $0xDC000  }
0xb1: {  	[dreg:$0x5] =	wrdreg $0x9  }
0xb2: {  	_ =	task.clear_ibuf [dreg:s7], $0x6FFFF;
	_ =	strace $0x90000046  }
0xb3: {  	s29 =	simm.s32 $0x9;
	_ =	strace $0x80000048  }
0xb4: {  	_ =	swait.ge [sflag:s29], $0x1  }
0xb5: {  	[sflag:s29] =	ssyncadd.s32 $0xFFFFFFFF  }
0xb6: {  	_ =	strace $0x90000048  }
0xb7: {  	_ =	sfence  }
0xb8: {  	s30 =	sld [smem:$0x0];
	_ =	sdelay $0x2  }
0xb9: {  	s31 =	sshll.u32 s1, $0xD;
	s1 =	sshrl.u32 s1, $0x2  }
0xba: {  	s3 =	sand.u32 $0x4000, s31;
	s1 =	sadd.s32 s1, s30  }
0xbb: {  	s0 =	sor.u32 s3, s0;
	s1 =	sshll.u32 s1, $0x11  }
0xbc: {  	s0 =	sor.u32 s1, s0  }
0xbd: {  	s0 =	sadd.s32 $0x8F2B, s0  }
0xbe: {  	[sflag:s0] =	ssyncadd.remote.s32 $0x1  }
0xbf: {  	_ =	sfence.sel $0xFFFF  }
0xc0: {  	[dreg:$0x0] =	wrdreg $0xFFFFFFFF;
	(pc) =	sbr.abs _section_cstart, $3  }
0xc1: {  	[dreg:$0x1] =	wrdreg $0xFFFFFFFF  }
0xc2: {  	_ =	task.clear_ibuf [dreg:s7], $0x2FFFF;
	_ =	strace $0x9FFFFFFF  }
0xc3: {  	(tm) =	ssettm $0x7FFFFFFF  }
tec
execute0_lowered:
.L_overlay_start_1:
0x0: {  	(tag) =	ssettag $0x1  }
0x1: {  	s4 =	rddreg [dreg:$0x0]  }
0x2: {  	s5 =	rddreg [dreg:$0x1]  }
0x3: {  	s1 =	rddreg [dreg:$0x2]  }
0x4: {  	s0 =	rddreg [dreg:$0x3];
	s2 =	simm.s32 $0x0;
	s7 =	stileid.u32  }
0x5: {  	s3 =	srdreg.scid;
	s11 =	simm.s32 $0x80;
	s12 =	simm.s32 $0x2  }
0x6: {  	s13 =	simm.s32 $0x0;
	[smem:$0x7FF] =	sst s2;
	s3 =	sand.u32 $0x1, s3  }
0x7: {  	s6 =	sshll.u32 s7, $0x1;
	s8 =	smul.u32 $0x32000, s7;
	s9 =	sadd.s32 $0xF44C00, s5  }
0x8: {  	p0 =	sne.s32 s7, $0x0;
	s7 =	simm.s32 $0x4;
	_ =	strace $0x80000047  }
0x9: {  	s6 =	sor.u32 s3, s6;
	[dreg:$0x4] =	wrdreg s9;
	s29 =	ssub.s32 $0x2, s3  }
0xa: {  	s10 =	smul.u32 $0x19000, s3;
	s3 =	sadd.s32 $0xF43200, s5;
	s9 =	simm.s32 $0x1C00  }
0xb: {  	[dreg:$0x5] =	wrdreg s11;
	s6 =	smul.u32 $0x380, s6;
	s30 =	sshrl.u32 s29, $0x1  }
0xc: {  	s11 =	simm.s32 $0x1;
	s5 =	sadd.s32 s8, s5;
	s8 =	ssub.s32 s29, s30  }
0xd: {  	s31 =	sadd.s32 s10, s5;
	s10 =	simm.s32 $0x3;
	s4 =	sadd.s32 s4, s6  }
0xe: {  	s5 =	smax.u32 s8, $0x1;
	s6 =	sadd.s32 $0xE00, s31;
	s8 =	sshrl.u32 @!p0 s1, $0x3  }
.LBB2_1:
0xf: {  	[tilespmem:s2], [sflag:$0x4] =	stream.linear.gather [hbm4b:s4+s2], $0x1900, $0x38;
	[tilespmem:$0xE880] =	vst v63  }
0x10: {  	s14 =	simm.s32 @!p0 $0x1C04;
	p1 =	por $0x0, $0x0  }
0x11: {  	s17 =	smul.u32 $0xAB, s2;
	_ =	swait.ge [sflag:s7], $0x1900;
	s15 =	simm.s32 @!p1 $0x80  }
0x12: {  	p2 =	por @!p1 $0x1, $0x1;
	[sflag:s7] =	ssyncset.done $0x0;
	s15 =	sand.u32 @!p1 $0xFF80, s15  }
0x13: {  	s17 =	sshrl.u32 s17, $0x9;
	[sflag:s7] =	ssyncadd.s32 $0xFFFFE700;
	s15 =	smul.u32 @!p1 $0x147B, s15  }
0x14: {  	[spmem:s8], [sflag:s14] =	dma.local @!p0 [hbm:s3], $0x1900  }
0x15: {  	p2 =	por p2, p1;
	s17 =	sand.u32 $0x7F, s17;
	s14 =	simm.s32 @!p0 $0x4  }
0x16: {  	s17 =	smul.u32 $0x3, s17;
	_ =	swait.ge @!p0 [sflag:s14], $0x1900;
	s15 =	sshrl.u32 @!p1 s15, $0x14  }
0x17: {  	s22 =	simm.s32 @!p2 $0x2;
	[sflag:s14] =	ssyncset.done @!p0 $0x0;
	s18 =	smul.u32 @!p1 $0xC8, s15  }
0x18: {  	s15 =	sadd.s32 $0x800, s6;
	[sflag:s14] =	ssyncadd.s32 @!p0 $0xFFFFE700;
	s14 =	simm.s32 $0x1  }
0x19: {  	s17 =	ssub.s32 $0x0, s17;
	[bflag:$0x0] =	sbarrier.arrive $0xFFFF;
	s16 =	smul.u32 @!p1 $0xAB, s14  }
0x1a: {  	[tilespmem:s9], [sflag:$0x3] =	stream.linear.gather [spmem:s1], $0x4000, $0x38;
	[tilespmem:$0xE880] =	vst v63  }
0x1b: {  	s31 =	sand.u32 $0xFF, s17;
	s17 =	simm.s32 $0x0;
	s16 =	sshrl.u32 @!p1 s16, $0x9  }
0x1c: {  	s18 =	ssub.s32 @!p1 $0x80, s18;
	_ =	swait.ge [sflag:s10], $0x4000;
	s16 =	sand.u32 @!p1 $0x7F, s16  }
0x1d: {  	s18 =	sand.u32 @!p1 $0xFFF8, s18;
	[sflag:s10] =	ssyncset.done $0x0;
	s16 =	smul.u32 @!p1 $0x3, s16  }
0x1e: {  	s23 =	sshll.u32 s31, $0xE;
	s18 =	sshll.u32 @!p1 s18, $0x7;
	[sflag:s10] =	ssyncadd.s32 $0xFFFFC000  }
0x1f: {  	s19 =	sadd.s32 @!p1 s18, s1;
	_ =	swait.ge @!p2 [sflag:s22], $0x4000;
	s16 =	ssub.s32 @!p1 $0x1, s16  }
0x20: {  	s18 =	simm.s32 $0x0;
	[sflag:s22] =	ssyncset.done @!p2 $0x0;
	s16 =	sand.u32 @!p1 $0xFF, s16  }
0x21: {  	s20 =	rddreg [dreg:$0x4];
	[sflag:s22] =	ssyncadd.s32 @!p2 $0xFFFFC000;
	s16 =	sshll.u32 @!p1 s16, $0xE  }
0x22: {  	s22 =	rddreg [dreg:$0x5];
	s21 =	sor.u32 @!p1 $0x1C00, s16;
	s16 =	smov.u32 s6  }
.LBB2_2:
0x23: {  	s17 =	sadd.s32 $0x80, s17;
	s24 =	smov.u32 s14  }
0x24: {  	p4 =	por p1, p1;
	p1 =	seq.s32 s14, $0x31;
	s14 =	sadd.s32 $0x1, s14  }
0x25: {  	s25 =	smov.u32 s16;
	s16 =	smov.u32 s15;
	s28 =	smul.u32 @!p1 $0xAB, s14  }
0x26: {  	s23 =	sor.u32 $0x1C00, s23;
	s26 =	sshll.u32 @!p1 s14, $0x7;
	s30 =	smul.u32 $0xAB, s24  }
0x27: {  	[tilespmem:s21], [sflag:$0x3] =	stream.linear.gather @!p4 [spmem:s19], $0x4000, $0x38;
	[tilespmem:$0xE880] =	vst v63  }
0x28: {  	s15 =	sadd.s32 $0x800, s15;
	p2 =	sne.s32 s14, $0x32;
	s29 =	sand.u32 @!p1 $0xFF80, s26  }
0x29: {  	s28 =	sshrl.u32 @!p1 s28, $0x9;
	s30 =	sshrl.u32 s30, $0x9;
	s21 =	smul.u32 @!p1 $0x147B, s29  }
0x2a: {  	[tilespmem:s23], [sflag:$0x1] =	stream.indirect.gather.add.f32 [hbm:s20], $0x80, s18, s22, $0xb8;
	[tilespmem:$0xE880] =	vst v63  }
0x2b: {  	p3 =	slt.u32 @!p1 s24, $0x2;
	s28 =	sand.u32 @!p1 $0x7F, s28;
	s19 =	sand.u32 $0x7F, s30  }
0x2c: {  	_ =	swait.ge [sflag:s11], $0x4000;
	s18 =	sshrl.u32 @!p1 s21, $0x14;
	s21 =	smul.u32 @!p1 $0x3, s28  }
0x2d: {  	p3 =	por p3, p1;
	[sflag:s11] =	ssyncset.done $0x0;
	s31 =	smul.u32 $0x3, s19  }
0x2e: {  	s20 =	smul.u32 @!p1 $0xC8, s18;
	s18 =	smov.u32 s17;
	[sflag:s11] =	ssyncadd.s32 $0xFFFFC000  }
0x2f: {  	[hbm4b:s25+s2] =	stream.linear.scatter [tilespmem:s23], [sflag:$0x2], $0x4000, $0x38;
	[tilespmem:$0xE880] =	vst v63  }
0x30: {  	s23 =	simm.s32 @!p3 $0x2;
	s22 =	ssub.s32 s24, s31;
	s19 =	ssub.s32 @!p1 s26, s20  }
0x31: {  	s20 =	ssub.s32 @!p1 s14, s21;
	_ =	swait.ge [sflag:s10], $0x4000;
	s22 =	sand.u32 $0xFF, s22  }
.Ltmp0:
0x32: {  	s19 =	sand.u32 @!p1 $0xFFF8, s19;
	[sflag:s10] =	ssyncset.done $0x0;
	(pc) =	sbr.rel @p2 .LBB2_2-.Ltmp0, $4  }
0x33: {  	s20 =	sand.u32 @!p1 $0xFF, s20;
	s19 =	sshll.u32 @!p1 s19, $0x7;
	[sflag:s10] =	ssyncadd.s32 $0xFFFFC000  }
0x34: {  	s20 =	sshll.u32 @!p1 s20, $0xE;
	s19 =	sadd.s32 @!p1 s19, s1;
	_ =	swait.ge @!p3 [sflag:s23], $0x4000  }
0x35: {  	s21 =	sor.u32 @!p1 $0x1C00, s20;
	[sflag:s23] =	ssyncset.done @!p3 $0x0;
	s20 =	rddreg [dreg:$0x4]  }
0x36: {  	[sflag:s23] =	ssyncadd.s32 @!p3 $0xFFFFC000;
	s23 =	sshll.u32 s22, $0xE;
	s22 =	rddreg [dreg:$0x5]  }
0x37: {  	p1 =	por p1, p1  }
0x38: {  	[tilespmem:s21], [sflag:$0x3] =	stream.linear.gather @!p1 [spmem:s19], $0x4000, $0x38;
	[tilespmem:$0xE880] =	vst v63  }
0x39: {  	s14 =	sor.u32 $0x1C00, s23  }
0x3a: {  	[tilespmem:s14], [sflag:$0x1] =	stream.indirect.gather.add.f32 [hbm:s20], $0x80, s18, s22, $0xb8;
	[tilespmem:$0xE880] =	vst v63  }
0x3b: {  	_ =	swait.ge [sflag:s11], $0x4000  }
0x3c: {  	[sflag:s11] =	ssyncset.done $0x0  }
0x3d: {  	[sflag:s11] =	ssyncadd.s32 $0xFFFFC000  }
0x3e: {  	[hbm4b:s16+s2] =	stream.linear.scatter [tilespmem:s14], [sflag:$0x2], $0x4000, $0x38;
	[tilespmem:$0xE880] =	vst v63  }
0x3f: {  	_ =	swait.ge [sflag:s12], $0x4000  }
0x40: {  	[sflag:s12] =	ssyncset.done $0x0  }
0x41: {  	s13 =	sadd.s32 $0x1, s13;
	[sflag:s12] =	ssyncadd.s32 $0xFFFFC000  }
0x42: {  	p1 =	sne.s32 s13, s5;
	_ =	swait.ge [sflag:s12], $0x4000  }
.Ltmp1:
0x43: {  	[sflag:s12] =	ssyncset.done $0x0;
	(pc) =	sbr.rel @p1 .LBB2_1-.Ltmp1, $4  }
0x44: {  	[sflag:s12] =	ssyncadd.s32 $0xFFFFC000  }
0x45: {  	_ =	swait.ge [sflag:s12], $0x4000  }
0x46: {  	[sflag:s12] =	ssyncset.done $0x0  }
0x47: {  	[sflag:s12] =	ssyncadd.s32 $0xFFFFC000  }
0x48: {  	_ =	sfence.sel $0x180000  }
0x49: {  	[bflag:$0x0] =	sbarrier.arrive $0xFFFF  }
0x4a: {  	_ =	strace $0x90000047  }
0x4b: {  	s0 =	sadd.s32 @!p0 $0x100000, s0;
	[bflag:$0x2] =	sbarrier.arrive $0xFFFF  }
0x4c: {  	[sflag:s0] =	ssyncadd.tile.s32 @!p0 $0x1;
	_ =	shalt  }
.Lfunc_end2:
_tile_overlayer_lowered:
.L_overlay_start_2:
0x4d: {  	(tag) =	ssettag $0x2  }
0x4e: {  	s0 =	rddreg [dreg:$0x0];
	s2 =	stileid.u32  }
0x4f: {  	s1 =	rddreg [dreg:$0x1];
	p0 =	sne.s32 s2, $0x0  }
0x50: {  	s3 =	rddreg [dreg:$0x2];
	[bflag:$0x3] =	sbarrier.arrive $0xFFFF;
	s2 =	simm.s32 @!p0 $0x1C04  }
0x51: {  	[timem:s3], [sflag:s2] =	dma.local @!p0 [hbm:s0], s1  }
0x52: {  	s0 =	simm.s32 @!p0 $0x4  }
0x53: {  	_ =	swait.ge @!p0 [sflag:s0], s1  }
0x54: {  	s1 =	ssub.s32 @!p0 $0x0, s1;
	[sflag:s0] =	ssyncset.done @!p0 $0x0  }
0x55: {  	[sflag:s0] =	ssyncadd.s32 @!p0 s1  }
0x56: {  	[bflag:$0x3] =	sbarrier.arrive $0xFFFF  }
0x57: {  	_ =	shalt  }

// kernel: sparse-core-data-format-call.cloned.1.call-start
scs
called_computation_lowered:
.L_overlay_start_0:
0x0: {  	s2 =	sld [smem:$0x3FD9]  }
0x1: {  	s3 =	sld [smem:$0x3FFE];
	_ =	sdelay $0x1  }
0x2: {  	s1 =	srdreg.scid  }
0x3: {  	s0 =	sand.u32 $0x1, s1  }
0x4: {  	s18 =	sshll.u32 s0, $0xA;
	s2 =	sadd.s32 s3, s2  }
0x5: {  	s2 =	sadd.s32 s2, s18  }
0x6: {  	[smem:$0x3FC5] =	sst s2  }
0x7: {  	_ = 	snop  }
0x8: {  	s2 =	sld [smem:$0x3FD0];
	(tm) =	ssettm $0x1  }
0x9: {  	s19 =	sld [smem:$0x3FFB];
	_ =	sdelay $0x3  }
0xa: {  	_ =	strace s19  }
0xb: {  	s3 =	sld [smem:$0x3FFC];
	_ =	sdelay $0x3  }
0xc: {  	_ =	strace s3  }
0xd: {  	s3 =	sld [smem:$0x3FFD];
	_ =	sdelay $0x3  }
0xe: {  	_ =	strace s3  }
0xf: {  	_ =	strace $0x8FFFFFFF  }
0x10: {  	s20 =	sld [smem:$0x3FDB];
	_ =	sdelay $0x1  }
0x11: {  	s4 =	simm.s32 $_scs_section_size  }
0x12: {  	s5 =	simm.s32 $_size__tile_overlayer_lowered;
	s6 =	simm.s32 $_tile_overlayer_lowered  }
0x13: {  	s23 =	simm.s32 $0x1BFF;
	s22 =	sshll.u32 s6, $0x1;
	s3 =	sadd.s32 s4, s20  }
0x14: {  	s7 =	simm.s32 $0x0;
	s21 =	sshll.u32 s5, $0x1;
	s5 =	sadd.s32 s22, s3  }
0x15: {  	[timem:s7], [sflag:s23] =	dma.local [hbm:s5], s21  }
0x16: {  	_ =	swait.ge [sflag:s23], s21  }
0x17: {  	s4 =	ssub.s32 $0x0, s21;
	[sflag:s23] =	ssyncset.done $0x0  }
0x18: {  	[sflag:s23] =	ssyncadd.s32 s4;
	_ =	sdelay $0x1  }
0x19: {  	s24 =	simm.s32 $0x1B8B  }
0x1a: {  	_ =	swait.ge [sflag:s24], $0x1  }
0x1b: {  	[sflag:s24] =	ssyncset.done $0x0  }
0x1c: {  	s26 =	simm.s32 $0x1B8E;
	s25 =	sld [smem:$0x3FFE];
	[sflag:s24] =	ssyncadd.s32 $0xFFFFFFFF  }
0x1d: {  	s27 =	simm.s32 $execute0_lowered;
	[smem:$0x3FD2] =	sst s26  }
0x1e: {  	s5 =	sshll.u32 s27, $0x1;
	_ =	strace $0x80000049;
	[dreg:$0x1] =	wrdreg $0xFFFFFFFF  }
0x1f: {  	s28 =	simm.s32 $_size_execute0_lowered;
	s3 =	sadd.s32 s3, s5;
	[dreg:$0x0] =	wrdreg $0x0  }
0x20: {  	s5 =	sshll.u32 s28, $0x1;
	[dreg:$0x2] =	wrdreg s3  }
0x21: {  	[dreg:$0x3] =	wrdreg s5  }
0x22: {  	[dreg:$0x4] =	wrdreg $0xC0  }
0x23: {  	_ =	task [dreg:s7], $0x5FFFF  }
0x24: {  	[dreg:$0x1] =	wrdreg $0xFFFFFFFF  }
0x25: {  	[dreg:$0x0] =	wrdreg $0x60  }
0x26: {  	[dreg:$0x2] =	wrdreg s25  }
0x27: {  	[dreg:$0x3] =	wrdreg s2  }
0x28: {  	[dreg:$0x4] =	wrdreg $0x9  }
0x29: {  	_ =	task.clear_ibuf [dreg:s7], $0x5FFFF;
	_ =	strace $0x90000049  }
0x2a: {  	s29 =	simm.s32 $0x9;
	_ =	strace $0x8000004B  }
0x2b: {  	_ =	swait.ge [sflag:s29], $0x1  }
0x2c: {  	[sflag:s29] =	ssyncadd.s32 $0xFFFFFFFF  }
0x2d: {  	_ =	strace $0x9000004B  }
0x2e: {  	_ =	sfence  }
0x2f: {  	s30 =	sld [smem:$0x0];
	_ =	sdelay $0x2  }
0x30: {  	s31 =	sshll.u32 s1, $0xD;
	s1 =	sshrl.u32 s1, $0x2  }
0x31: {  	s3 =	sand.u32 $0x4000, s31;
	s1 =	sadd.s32 s1, s30  }
0x32: {  	s0 =	sor.u32 s3, s0;
	s1 =	sshll.u32 s1, $0x11  }
0x33: {  	s0 =	sor.u32 s1, s0  }
0x34: {  	s0 =	sadd.s32 $0x8F2B, s0  }
0x35: {  	[sflag:s0] =	ssyncadd.remote.s32 $0x1  }
0x36: {  	_ =	sfence.sel $0xFFFF  }
0x37: {  	[dreg:$0x0] =	wrdreg $0xFFFFFFFF;
	(pc) =	sbr.abs _section_cstart, $3  }
0x38: {  	[dreg:$0x1] =	wrdreg $0xFFFFFFFF  }
0x39: {  	_ =	task.clear_ibuf [dreg:s7], $0x2FFFF;
	_ =	strace $0x9FFFFFFF  }
0x3a: {  	(tm) =	ssettm $0x7FFFFFFF  }
0x3b: {  	_ =	shalt  }
tec
execute0_lowered:
.L_overlay_start_1:
0x0: {  	(tag) =	ssettag $0x1  }
0x1: {  	s0 =	stileid.u32;
	s6 =	rddreg [dreg:$0x0]  }
0x2: {  	s2 =	rddreg [dreg:$0x1];
	s5 =	srdreg.scid  }
0x3: {  	s31 =	simm.s32 $0x2;
	s13 =	simm.s32 $0x0;
	s1 =	sshll.u32 s0, $0x7  }
0x4: {  	s14 =	simm.s32 $0x0;
	s12 =	simm.s32 $0x0;
	s3 =	sand.u32 $0x380, s1  }
0x5: {  	s5 =	sshll.u32 s5, $0x4;
	s6 =	sadd.s32 $0xE00, s6;
	s4 =	ssub.s32 $0x400, s3  }
0x6: {  	s1 =	rddreg [dreg:$0x2];
	_ =	strace $0x8000004A;
	s7 =	sand.u32 $0x380, s4  }
0x7: {  	s5 =	sand.u32 $0x10, s5;
	p0 =	sne.s32 s7, $0x0;
	s7 =	simm.s32 $0x1  }
.Ltmp0:
0x8: {  	s8 =	sshrl.u32 s4, $0xA;
	s7 =	simm.s32 @!p0 $0x0;
	(pc) =	sbr.rel .LBB1_1-.Ltmp0, $4  }
0x9: {  	s9 =	sor.u32 s0, s5;
	s4 =	simm.s32 $0x1;
	s30 =	sadd.s32 s7, s8  }
0xa: {  	s11 =	smov.u32 s3;
	[sflag:s4] =	ssyncpa.u1 $0x0;
	s5 =	smul.u32 $0x32, s30  }
0xb: {  	[sflag:s31] =	ssyncpa.u1 $0x0;
	p0 =	por $0x0, $0x0;
	s7 =	sshrl.u32 s9, $0x3  }
0xc: {  	s9 =	simm.s32 $0x2000;
	s10 =	smov.u32 s7;
	s8 =	sor.u32 $0x1, s5  }
.LBB1_4:
0xd: {  	s17 =	sand.u32 $0x1F80, s14;
	s13 =	sshll.u32 s13, $0xD  }
0xe: {  	[tilespmem:s16+$0x810 ss:$0x81] =	vst.msk $0xffff, v2;
	s18 =	sshrl.u32 s14, $0x3;
	s31 =	sand.u32 $0x7, s14;
	s17 =	sadd.s32 s2, s17  }
0xf: {  	[tilespmem:s16+$0x1020 ss:$0x81] =	vst.msk $0xffff, v0;
	s18 =	sand.u32 $0xF, s18;
	s14 =	sshll.u32 s31, $0x12;
	s13 =	sadd.s32 s13, s17  }
0x10: {  	[tilespmem:s16+$0x0 ss:$0x81] =	vst.msk $0xffff, v1;
	s14 =	sor.u32 $0x400, s14;
	s13 =	sadd.s32 s18, s13  }
0x11: {  	[hbm4b:s13+s14] =	stream.strided.scatter [tilespmem:s15], [sflag:$0x2], $0x2000, s9, s14, $0x20;
	[tilespmem:$0x8080] =	vst v63  }
.LBB1_5:
0x12: {  	s15 =	sadd.s32 $0x4, s10  }
0x13: {  	s13 =	sadd.s32 $0x400, s11;
	s17 =	smov.u32 s11;
	p2 =	sgt.s32 s15, $0xC7  }
0x14: {  	s17 =	smov.u32 @p2 s13  }
0x15: {  	s15 =	smov.u32 @p2 s7;
	p2 =	sgt.s32 s17, $0x3FF  }
0x16: {  	s17 =	smov.u32 @p2 s3;
	p2 =	sne.s32 s12, s8  }
.Ltmp1:
0x17: {  	p1 =	slt.u32 s12, $0x2;
	(pc) =	sbr.rel @!p2 .LBB1_6-.Ltmp1, $4  }
0x18: {  	s16 =	simm.s32 @!p1 $0x2  }
0x19: {  	s14 =	smov.u32 s11;
	p0 =	por !p0, !p0;
	_ =	swait.ge @!p1 [sflag:s16], $0x2000  }
0x1a: {  	s13 =	smov.u32 s10;
	[sflag:s16] =	ssyncset.done @!p1 $0x0;
	s10 =	smov.u32 s15  }
0x1b: {  	s12 =	sadd.s32 $0x1, s12;
	[sflag:s16] =	ssyncadd.s32 @!p1 $0xFFFFE000;
	s11 =	smov.u32 s17  }
.LBB1_1:
0x1c: {  	p1 =	sge.u32 s12, s5  }
0x1d: {  	s15 =	sand.u32 @!p1 $0x1FFFFFF, s10  }
0x1e: {  	s16 =	smulhi.u32 @!p1 $0x147AE15, s15;
	_ =	sdelay $0x1  }
0x1f: {  	s16 =	smul.u32 @!p1 $0xC8, s16  }
0x20: {  	s17 =	sxor.u32 @!p1 $0xFFFFFFFF, s12;
	s18 =	smul.u32 @!p1 $0xC80, s11  }
0x21: {  	s31 =	sadd.s32 $0xFFFFFFFF, s12;
	s17 =	sshll.u32 @!p1 s17, $0xD;
	s15 =	ssub.s32 @!p1 s15, s16  }
0x22: {  	s16 =	sand.u32 @!p1 $0x2000, s17;
	s17 =	sadd.s32 @!p1 s6, s18;
	s15 =	sshll.u32 @!p1 s15, $0x4  }
0x23: {  	s18 =	simm.s32 @!p1 $0x6400;
	s15 =	sadd.s32 @!p1 s15, s17;
	s17 =	simm.s32 @!p1 $0x40  }
0x24: {  	[tilespmem:s16], [sflag:$0x1] =	stream.strided.gather @!p1 [hbm4b:s15+s17], $0x2000, s18, s17, $0x38;
	[tilespmem:$0x8080] =	vst v63  }
0x25: {  	p1 =	sge.u32 s31, s5  }
.Ltmp2:
0x26: {  	_ = 	snop;
	(pc) =	sbr.rel @p1 .LBB1_5-.Ltmp2, $1  }
0x27: {  	_ =	sdelay $0x3  }
0x28: {  	s15 =	simm.s32 $0x1  }
0x29: {  	_ =	swait.ge [sflag:s4], $0x2000;
	s15 =	simm.s32 @!p0 $0x0  }
0x2a: {  	[sflag:s4] =	ssyncset.done $0x0;
	s16 =	sshll.u32 s15, $0xD  }
0x2b: {  	[sflag:s4] =	ssyncadd.s32 $0xFFFFE000;
	s19 =	sor.u32 $0x20, s16  }
0x2c: {  	s15 =	smul.u32 $0x8100, s15;
	v3 =	vld [tilespmem:s19+$0x10]  }
0x2d: {  	s30 =	sand.u32 $0x1, s12;
	v2 =	vld [tilespmem:s19+$0xFFFFFFF0]  }
0x2e: {  	s16 =	smul.u32 $0x8100, s30;
	s15 =	sshrl.u32 s15, $0x2;
	v0 =	vld [tilespmem:s19+$0x0]  }
0x2f: {  	v1 =	vld [tilespmem:s19+$0xFFFFFFE0];
	s17 =	sor.u32 $0x4000, s15  }
0x30: {  	s31 =	sshrl.u32 s16, $0x2;
	s16 =	sadd.s32 $0x0, s17  }
0x31: {  	s18 =	simm.s32 $0x4;
	s19 =	sadd.s32 $0x40, s19;
	s15 =	sor.u32 $0x4000, s31;
	[tilespmem:s16+$0x1830 ss:$0x81] =	vst.msk $0xffff, v3  }
.LBB1_3:
0x32: {  	v3 =	vld [tilespmem:s19+$0x10];
	p1 =	sne.s32 s18, $0x1FC;
	[tilespmem:s16+$0x810 ss:$0x81] =	vst.msk $0xffff, v2;
	s20 =	smov.u32 s18;
	s18 =	sadd.s32 $0x4, s18  }
.Ltmp3:
0x33: {  	v2 =	vld [tilespmem:s19+$0xFFFFFFF0];
	[tilespmem:s16+$0x1020 ss:$0x81] =	vst.msk $0xffff, v0;
	(pc) =	sbr.rel @p1 .LBB1_3-.Ltmp3, $4  }
0x34: {  	v0 =	vld [tilespmem:s19+$0x0];
	[tilespmem:s16+$0x0 ss:$0x81] =	vst.msk $0xffff, v1  }
0x35: {  	s16 =	sshra.s32 s20, $0x2;
	v1 =	vld [tilespmem:s19+$0xFFFFFFE0]  }
0x36: {  	s16 =	sadd.s32 s16, s17  }
0x37: {  	s19 =	sadd.s32 $0x40, s19;
	[tilespmem:s16+$0x1830 ss:$0x81] =	vst.msk $0xffff, v3  }
.Ltmp4:
0x38: {  	_ = 	snop;
	(pc) =	sbr.rel .LBB1_4-.Ltmp4, $1  }
0x39: {  	_ =	sdelay $0x3  }
.LBB1_6:
0x3a: {  	_ =	sfence.sel $0x180000  }
0x3b: {  	s2 =	simm.s32 $0x1;
	[bflag:$0x0] =	sbarrier.arrive $0xFFFF  }
0x3c: {  	s31 =	simm.s32 $0x2;
	[sflag:s2] =	ssyncpa.u1 $0x1  }
0x3d: {  	[sflag:s31] =	ssyncpa.u1 $0x1  }
0x3e: {  	p0 =	sne.s32 s0, $0x0;
	_ =	strace $0x9000004A  }
0x3f: {  	s0 =	sadd.s32 @!p0 $0x100000, s1;
	[bflag:$0x2] =	sbarrier.arrive $0xFFFF  }
0x40: {  	[sflag:s0] =	ssyncadd.tile.s32 @!p0 $0x1;
	_ =	shalt  }
.Lfunc_end1:
_tile_overlayer_lowered:
.L_overlay_start_2:
0x41: {  	(tag) =	ssettag $0x2  }
0x42: {  	s0 =	rddreg [dreg:$0x0];
	s2 =	stileid.u32  }
0x43: {  	s1 =	rddreg [dreg:$0x1];
	p0 =	sne.s32 s2, $0x0  }
0x44: {  	s3 =	rddreg [dreg:$0x2];
	[bflag:$0x3] =	sbarrier.arrive $0xFFFF;
	s2 =	simm.s32 @!p0 $0x1C01  }
0x45: {  	[timem:s3], [sflag:s2] =	dma.local @!p0 [hbm:s0], s1  }
0x46: {  	s0 =	simm.s32 @!p0 $0x1  }
0x47: {  	_ =	swait.ge @!p0 [sflag:s0], s1  }
0x48: {  	s1 =	ssub.s32 @!p0 $0x0, s1;
	[sflag:s0] =	ssyncset.done @!p0 $0x0  }
0x49: {  	[sflag:s0] =	ssyncadd.s32 @!p0 s1  }
0x4a: {  	[bflag:$0x3] =	sbarrier.arrive $0xFFFF  }
0x4b: {  	_ =	shalt  }

</sc_bundles>
